<compile_context>
chip_gen: v7x
topology: tpu7x:2x2x1
jax: 0.10.2.dev20260603
libtpu: 0.0.44.dev20260713+nightly
codegen_flags: <defaults>
</compile_context>

<pallas_src>
import functools

import jax
import jax.numpy as jnp
from jax import lax
from jax.experimental import pallas as pl
from jax.experimental.pallas import tpu as pltpu
from jax.experimental.pallas import tpu_sc as plsc

T = 32768
EXC = 128
SEQH = 128
EMB = 64
L = 200
K = 10
LPAD = 256
CH = 2048
NCH = T // CH
EBUF = 12
HBUF = 12
DEPTH = 6
NEG_INF = float("-inf")


def _sc_gather(ids_pad, emb):
    mesh = plsc.VectorSubcoreMesh(core_axis_name="c", subcore_axis_name="s")
    n_per = LPAD // 32

    @functools.partial(
        pl.kernel,
        mesh=mesh,
        out_type=jax.ShapeDtypeStruct((LPAD, 2 * EMB), jnp.float32),
        scratch_types=[
            pltpu.VMEM((n_per,), jnp.int32),
            pltpu.VMEM((n_per, 2 * EMB), jnp.float32),
            pltpu.SemaphoreType.DMA,
        ],
        compiler_params=pltpu.CompilerParams(use_tc_tiling_on_sc=False),
    )
    def k(idx_hbm, table_hbm, out_hbm, idx_v, rows_v, sem):
        wid = lax.axis_index("s") * 2 + lax.axis_index("c")
        base = wid * n_per
        pltpu.sync_copy(idx_hbm.at[pl.ds(base, n_per)], idx_v)
        pltpu.async_copy(table_hbm.at[idx_v], rows_v, sem).wait()
        pltpu.sync_copy(rows_v, out_hbm.at[pl.ds(base, n_per)])

    return k(ids_pad, emb)


def _dot(a, b, dims):
    return lax.dot_general(a, b, (dims, ((), ())),
                           preferred_element_type=jnp.float32,
                           precision=lax.Precision.DEFAULT)


def _tc_body(x_ref, wf_ref, wb_ref, bi_ref, whh_ref, bhh_ref,
             wihs_ref, whhs_ref, bihs_ref, bhhs_ref, wout_ref,
             score_ref, bout_ref, excs_hbm, hs_hbm,
             pred_ref, excs_new, hs_new,
             gif_ref, gib_ref, alpha_ref, ebuf_ref, hbuf_ref, hrows_ref,
             hprev_ref, exc_row, h_row,
             sem_eld, sem_est, sem_hld, sem_hst, sem_rows, sem_misc, sem_wr):
    x = x_ref[...]
    pred_ref[...] = jnp.sum(x, keepdims=True).reshape(1, 1) + score_ref[0]


def _tc_main(x, wf, wb, bi, whh, bhh, wihs, whhs, bihs, bhhs, wout,
             score, bout, excs, hs):
    vspec = pl.BlockSpec(memory_space=pltpu.VMEM)
    aspec = pl.BlockSpec(memory_space=pl.ANY)
    sspec = pl.BlockSpec(memory_space=pltpu.SMEM)
    return pl.pallas_call(
        _tc_body,
        out_shape=(jax.ShapeDtypeStruct((1, 1), jnp.float32),
                   jax.ShapeDtypeStruct((T + 1, EXC), jnp.float32),
                   jax.ShapeDtypeStruct((T + 1, 1, SEQH), jnp.float32)),
        in_specs=[vspec, vspec, vspec, vspec, vspec, vspec, vspec, vspec,
                  vspec, vspec, vspec, sspec, sspec, aspec, aspec],
        out_specs=(vspec, aspec, aspec),
        scratch_shapes=[
            pltpu.VMEM((LPAD, 384), jnp.float32),
            pltpu.VMEM((LPAD, 384), jnp.float32),
            pltpu.VMEM((NCH, CH), jnp.float32),
            pltpu.VMEM((EBUF, CH, EXC), jnp.float32),
            pltpu.VMEM((HBUF, CH, 1, SEQH), jnp.float32),
            pltpu.VMEM((16, 1, SEQH), jnp.float32),
            pltpu.VMEM((1, 1, SEQH), jnp.float32),
            pltpu.VMEM((1, EXC), jnp.float32),
            pltpu.VMEM((1, 1, SEQH), jnp.float32),
            pltpu.SemaphoreType.DMA((EBUF,)),
            pltpu.SemaphoreType.DMA((EBUF,)),
            pltpu.SemaphoreType.DMA((HBUF,)),
            pltpu.SemaphoreType.DMA((HBUF,)),
            pltpu.SemaphoreType.DMA,
            pltpu.SemaphoreType.DMA((1,)),
            pltpu.SemaphoreType.DMA((2,)),
        ],
        compiler_params=pltpu.CompilerParams(vmem_limit_bytes=64 * 1024 * 1024),
    )(x, wf, wb, bi, whh, bhh, wihs, whhs, bihs, bhhs, wout, score, bout,
      excs, hs)


def _arrange_bidir(Wih_f, Whh_f, bih_f, bhh_f, Wih_b, Whh_b, bih_b, bhh_b):
    Z = jnp.zeros((EMB, 64), jnp.float32)
    wfT = Wih_f.T
    wbT = Wih_b.T
    wf = jnp.concatenate([wfT[:, 0:64], Z, wfT[:, 64:128], Z, wfT[:, 128:192], Z], axis=1)
    wb = jnp.concatenate([Z, wbT[:, 0:64], Z, wbT[:, 64:128], Z, wbT[:, 128:192]], axis=1)
    bi = jnp.concatenate([bih_f[0:64], bih_b[0:64], bih_f[64:128], bih_b[64:128],
                          bih_f[128:192], bih_b[128:192]])[None, :]
    Zh = jnp.zeros((64, 64), jnp.float32)
    hfT = Whh_f.T
    hbT = Whh_b.T
    top = jnp.concatenate([hfT[:, 0:64], Zh, hfT[:, 64:128], Zh, hfT[:, 128:192], Zh], axis=1)
    bot = jnp.concatenate([Zh, hbT[:, 0:64], Zh, hbT[:, 64:128], Zh, hbT[:, 128:192]], axis=1)
    whh = jnp.concatenate([top, bot], axis=0)
    bhh = jnp.concatenate([bhh_f[0:64], bhh_b[0:64], bhh_f[64:128], bhh_b[64:128],
                           bhh_f[128:192], bhh_b[128:192]])[None, :]
    return wf, wb, bi, whh, bhh


def kernel(exec_ids, score, time, excs, hs, emb,
           Wih_f, Whh_f, bih_f, bhh_f,
           Wih_b, Whh_b, bih_b, bhh_b,
           Wih_s, Whh_s, bih_s, bhh_s,
           W_out, b_out):
    ids = exec_ids.astype(jnp.int32)
    ids_pad = jnp.concatenate([ids, jnp.zeros((LPAD - L,), jnp.int32)])
    x = _sc_gather(ids_pad // 4, excs)[:, :EMB]

    wf, wb, bi, whh, bhh = _arrange_bidir(Wih_f, Whh_f, bih_f, bhh_f,
                                          Wih_b, Whh_b, bih_b, bhh_b)
    pred, excs_new, hs_new = _tc_main(
        x, wf, wb, bi, whh, bhh,
        Wih_s.T, Whh_s.T, bih_s[None, :], bhh_s[None, :], W_out.T,
        score, b_out, excs, hs)
    return (pred, excs_new, hs_new)

# --- scband reference (transcript-rebuilt; emitter-appended) ---
"""Pipeline reference for scband-eernnmodel-51857435132233 (READ-ONLY COPY).

The authoritative reference and input builder live on the scoring server;
editing this copy changes nothing except your own understanding.
"""

import jax, jax.numpy as jnp
import numpy as np

WCNT = 100000
EMB = 64
EXC = 128
SEQH = 128
ATTN_K = 10
L = 200
T = 32768


def _gru_cell(x, h, Wih, Whh, bih, bhh):
    gi = x @ Wih.T + bih
    gh = h @ Whh.T + bhh
    ir, iz, inn = jnp.split(gi, 3, axis=-1)
    hr, hz, hn = jnp.split(gh, 3, axis=-1)
    r = jax.nn.sigmoid(ir + hr)
    z = jax.nn.sigmoid(iz + hz)
    n = jnp.tanh(inn + r * hn)
    return (1.0 - z) * n + z * h


def _gru_seq(x, h0, Wih, Whh, bih, bhh):
    def step(h, xt):
        h2 = _gru_cell(xt[None, :], h, Wih, Whh, bih, bhh)
        return h2, h2[0]
    _, ys = jax.lax.scan(step, h0, x)
    return ys


def setup_inputs(seed: int = 0):
    key = jax.random.key(seed)
    ks = [jax.random.fold_in(key, i) for i in range(12)]

    emb = jax.random.normal(ks[0], (WCNT, EMB), dtype=jnp.float32) * 0.02
    emb = emb.at[0].set(0.0)

    def gru_params(k, in_dim, h_dim):
        k1, k2, k3, k4 = jax.random.split(k, 4)
        s = 1.0 / np.sqrt(h_dim)
        return (jax.random.uniform(k1, (3 * h_dim, in_dim), minval=-s, maxval=s, dtype=jnp.float32),
                jax.random.uniform(k2, (3 * h_dim, h_dim), minval=-s, maxval=s, dtype=jnp.float32),
                jax.random.uniform(k3, (3 * h_dim,), minval=-s, maxval=s, dtype=jnp.float32),
                jax.random.uniform(k4, (3 * h_dim,), minval=-s, maxval=s, dtype=jnp.float32))

    Wih_f, Whh_f, bih_f, bhh_f = gru_params(ks[1], EMB, EXC // 2)
    Wih_b, Whh_b, bih_b, bhh_b = gru_params(ks[2], EMB, EXC // 2)
    Wih_s, Whh_s, bih_s, bhh_s = gru_params(ks[3], EXC * 2, SEQH)

    s = 1.0 / np.sqrt(EXC + SEQH)
    W_out = jax.random.uniform(ks[4], (1, EXC + SEQH), minval=-s, maxval=s, dtype=jnp.float32)
    b_out = jax.random.uniform(ks[5], (1,), minval=-s, maxval=s, dtype=jnp.float32)

    exec_ids = jax.random.randint(ks[6], (L,), 0, WCNT)
    score = jax.random.uniform(ks[7], (1,), dtype=jnp.float32)
    time = jnp.zeros((1,), dtype=jnp.float32)
    excs = jax.random.normal(ks[8], (T, EXC), dtype=jnp.float32)
    hs = jax.random.normal(ks[9], (T, 1, SEQH), dtype=jnp.float32)

    return dict(exec_ids=exec_ids, score=score, time=time, excs=excs, hs=hs, emb=emb,
                Wih_f=Wih_f, Whh_f=Whh_f, bih_f=bih_f, bhh_f=bhh_f,
                Wih_b=Wih_b, Whh_b=Whh_b, bih_b=bih_b, bhh_b=bhh_b,
                Wih_s=Wih_s, Whh_s=Whh_s, bih_s=bih_s, bhh_s=bhh_s,
                W_out=W_out, b_out=b_out)


def reference(exec_ids, score, time, excs, hs, emb,
              Wih_f, Whh_f, bih_f, bhh_f,
              Wih_b, Whh_b, bih_b, bhh_b,
              Wih_s, Whh_s, bih_s, bhh_s,
              W_out, b_out):
    # ExerciseNet: embedding lookup + bidirectional GRU + max-pool over words
    x = jnp.take(emb, exec_ids, axis=0)  # [L, EMB]
    h0 = jnp.zeros((1, EXC // 2), dtype=jnp.float32)
    ys_f = _gru_seq(x, h0, Wih_f, Whh_f, bih_f, bhh_f)          # [L, EXC//2]
    ys_b = _gru_seq(x[::-1], h0, Wih_b, Whh_b, bih_b, bhh_b)[::-1]
    y = jnp.concatenate([ys_f, ys_b], axis=-1)                   # [L, EXC]
    exc = jnp.max(y, axis=0)                                     # [EXC]

    # EERNNSeqNet attention: dot scores over history + top-k masking + softmax
    alpha = excs @ exc                                           # [T]
    k = min(alpha.shape[0], ATTN_K)
    vals, idx = jax.lax.top_k(alpha, k)
    w = jax.nn.softmax(vals)                                     # [k]
    hs_flat = hs.reshape(-1, SEQH)                               # [T, SEQH]
    attn_h = w @ jnp.take(hs_flat, idx, axis=0)                  # [SEQH]

    pred_v = jnp.concatenate([exc, attn_h])[None, :]             # [1, EXC+SEQH]
    pred = pred_v @ W_out.T + b_out                              # [1, 1]

    sc = score[0]
    pos = (sc >= 0.5).astype(exc.dtype)
    neg = (sc < 0.5).astype(exc.dtype)
    x2 = jnp.concatenate([exc * pos, exc * neg])                 # [2*EXC]
    h_prev = hs[-1].reshape(1, SEQH)
    h_new = _gru_cell(x2[None, :], h_prev, Wih_s, Whh_s, bih_s, bhh_s)  # [1, SEQH]

    excs_new = jnp.concatenate([excs, exc[None, :]], axis=0)
    hs_new = jnp.concatenate([hs, h_new[None, :, :]], axis=0)
    return (pred, excs_new, hs_new)

if __name__ == "__main__":
    import jax
    _d = setup_inputs()
    print(jax.jit(kernel)(*tuple(_d.values())))

</pallas_src>

<mosaic_0001>
#map = affine_map<(d0, d1) -> (0)>
#map1 = affine_map<(d0, d1) -> (0, 0)>
module attributes {stable_mosaic.version = 14 : i64} {
  func.func @k(%arg0: i32, %arg1: i32, %arg2: memref<256xi32, #tpu.memory_space<hbm>>, %arg3: memref<32768x128xf32, #tpu.memory_space<hbm>>, %arg4: memref<256x128xf32, #tpu.memory_space<hbm>>, %arg5: memref<8xi32, #tpu.memory_space<vmem>>, %arg6: memref<8x128xf32, #tpu.memory_space<vmem>>, %arg7: memref<!tpu.dma_semaphore, #tpu.memory_space<semaphore_mem>>) attributes {dimension_semantics = [#tpu.dimension_semantics<core_parallel>, #tpu.dimension_semantics<subcore_parallel>], iteration_bounds = array<i64: 2, 16>, scalar_prefetch = 0 : i64, scratch_operands = 3 : i64, tpu.core_type = #tpu.core_type<sc_vector_subcore>, window_params = [{transform_indices = #map}, {transform_indices = #map1}, {transform_indices = #map1}]} {
    %mul3A = arith.constant 2 : i32
    %mul3A_0 = arith.muli %arg1, %mul3A : i32
    %add3A = arith.addi %mul3A_0, %arg0 : i32
    %mul3A_1 = arith.constant 8 : i32
    %mul3A_2 = arith.muli %add3A, %mul3A_1 : i32
    "tpu.region"() ({
      %run_scoped3A = tpu.sem_alloc : memref<!tpu.dma_semaphore, #tpu.memory_space<semaphore_mem>>
      %dma_start3A_7 = tpu.memref_slice %arg2[%mul3A_2] : memref<256xi32, #tpu.memory_space<hbm>> -> memref<8xi32, #tpu.memory_space<hbm>>
      %dma_start3A_8 = tpu.memref_slice %arg2[%mul3A_2] : memref<256xi32, #tpu.memory_space<hbm>> -> memref<8xi32, #tpu.memory_space<hbm>>
      tpu.enqueue_dma source(%dma_start3A_8 : memref<8xi32, #tpu.memory_space<hbm>>) target(%arg5 : memref<8xi32, #tpu.memory_space<vmem>>) target_semaphore(%run_scoped3A : memref<!tpu.dma_semaphore, #tpu.memory_space<semaphore_mem>>)
      %dma_wait3A_9 = tpu.memref_slice %arg2[%mul3A_2] : memref<256xi32, #tpu.memory_space<hbm>> -> memref<8xi32, #tpu.memory_space<hbm>>
      %dma_wait3A_10 = tpu.memref_slice %arg2[%mul3A_2] : memref<256xi32, #tpu.memory_space<hbm>> -> memref<8xi32, #tpu.memory_space<hbm>>
      tpu.wait_dma2 semaphore(%run_scoped3A : memref<!tpu.dma_semaphore, #tpu.memory_space<semaphore_mem>>) src(%dma_wait3A_10 : memref<8xi32, #tpu.memory_space<hbm>>) dst(%arg5 : memref<8xi32, #tpu.memory_space<vmem>>)
      tpu.yield
    }) : () -> ()
    %dma_start3A = arith.constant 0 : i32
    %dma_start3A_3 = arith.constant 0 : i32
    %dma_start3A_4 = tpu.memref_slice %arg3[%dma_start3A, %dma_start3A_3] : memref<32768x128xf32, #tpu.memory_space<hbm>> -> memref<32768x128xf32, #tpu.memory_space<hbm>>
    tpu.enqueue_indirect_dma source(%dma_start3A_4 : memref<32768x128xf32, #tpu.memory_space<hbm>>) target(%arg6 : memref<8x128xf32, #tpu.memory_space<vmem>>) offsets(%arg5 : memref<8xi32, #tpu.memory_space<vmem>>) semaphore(%arg7 : memref<!tpu.dma_semaphore, #tpu.memory_space<semaphore_mem>>)
    %dma_wait3A = arith.constant 0 : i32
    %dma_wait3A_5 = arith.constant 0 : i32
    %dma_wait3A_6 = tpu.memref_slice %arg3[%dma_wait3A, %dma_wait3A_5] : memref<32768x128xf32, #tpu.memory_space<hbm>> -> memref<32768x128xf32, #tpu.memory_space<hbm>>
    tpu.wait_indirect_dma semaphore(%arg7 : memref<!tpu.dma_semaphore, #tpu.memory_space<semaphore_mem>>) src(%dma_wait3A_6 : memref<32768x128xf32, #tpu.memory_space<hbm>>) dst(%arg6 : memref<8x128xf32, #tpu.memory_space<vmem>>)
    "tpu.region"() ({
      %run_scoped3A = tpu.sem_alloc : memref<!tpu.dma_semaphore, #tpu.memory_space<semaphore_mem>>
      %dma_start3A_7 = arith.constant 0 : i32
      %dma_start3A_8 = tpu.memref_slice %arg4[%mul3A_2, %dma_start3A_7] : memref<256x128xf32, #tpu.memory_space<hbm>> -> memref<8x128xf32, #tpu.memory_space<hbm>>
      %dma_start3A_9 = arith.constant 0 : i32
      %dma_start3A_10 = tpu.memref_slice %arg4[%mul3A_2, %dma_start3A_9] : memref<256x128xf32, #tpu.memory_space<hbm>> -> memref<8x128xf32, #tpu.memory_space<hbm>>
      tpu.enqueue_dma source(%arg6 : memref<8x128xf32, #tpu.memory_space<vmem>>) target(%dma_start3A_10 : memref<8x128xf32, #tpu.memory_space<hbm>>) target_semaphore(%run_scoped3A : memref<!tpu.dma_semaphore, #tpu.memory_space<semaphore_mem>>)
      %dma_wait3A_11 = arith.constant 0 : i32
      %dma_wait3A_12 = tpu.memref_slice %arg4[%mul3A_2, %dma_wait3A_11] : memref<256x128xf32, #tpu.memory_space<hbm>> -> memref<8x128xf32, #tpu.memory_space<hbm>>
      %dma_wait3A_13 = arith.constant 0 : i32
      %dma_wait3A_14 = tpu.memref_slice %arg4[%mul3A_2, %dma_wait3A_13] : memref<256x128xf32, #tpu.memory_space<hbm>> -> memref<8x128xf32, #tpu.memory_space<hbm>>
      tpu.wait_dma2 semaphore(%run_scoped3A : memref<!tpu.dma_semaphore, #tpu.memory_space<semaphore_mem>>) src(%arg6 : memref<8x128xf32, #tpu.memory_space<vmem>>) dst(%dma_wait3A_14 : memref<8x128xf32, #tpu.memory_space<hbm>>)
      tpu.yield
    }) : () -> ()
    return
  }
}

module attributes {stable_mosaic.version = 14 : i64} {
  func.func @_tc_body(%arg0: memref<256x64xf32, #tpu.memory_space<vmem>>, %arg1: memref<64x384xf32, #tpu.memory_space<vmem>>, %arg2: memref<64x384xf32, #tpu.memory_space<vmem>>, %arg3: memref<1x384xf32, #tpu.memory_space<vmem>>, %arg4: memref<128x384xf32, #tpu.memory_space<vmem>>, %arg5: memref<1x384xf32, #tpu.memory_space<vmem>>, %arg6: memref<256x384xf32, #tpu.memory_space<vmem>>, %arg7: memref<128x384xf32, #tpu.memory_space<vmem>>, %arg8: memref<1x384xf32, #tpu.memory_space<vmem>>, %arg9: memref<1x384xf32, #tpu.memory_space<vmem>>, %arg10: memref<256x1xf32, #tpu.memory_space<vmem>>, %arg11: memref<1xf32, #tpu.memory_space<smem>>, %arg12: memref<1xf32, #tpu.memory_space<smem>>, %arg13: memref<32768x128xf32, #tpu.memory_space<any>>, %arg14: memref<32768x1x128xf32, #tpu.memory_space<any>>, %arg15: memref<1x1xf32, #tpu.memory_space<vmem>>, %arg16: memref<32769x128xf32, #tpu.memory_space<any>>, %arg17: memref<32769x1x128xf32, #tpu.memory_space<any>>, %arg18: memref<256x384xf32, #tpu.memory_space<vmem>>, %arg19: memref<256x384xf32, #tpu.memory_space<vmem>>, %arg20: memref<16x2048xf32, #tpu.memory_space<vmem>>, %arg21: memref<12x2048x128xf32, #tpu.memory_space<vmem>>, %arg22: memref<12x2048x1x128xf32, #tpu.memory_space<vmem>>, %arg23: memref<16x1x128xf32, #tpu.memory_space<vmem>>, %arg24: memref<1x1x128xf32, #tpu.memory_space<vmem>>, %arg25: memref<1x128xf32, #tpu.memory_space<vmem>>, %arg26: memref<1x1x128xf32, #tpu.memory_space<vmem>>, %arg27: memref<12x!tpu.dma_semaphore, #tpu.memory_space<semaphore_mem>>, %arg28: memref<12x!tpu.dma_semaphore, #tpu.memory_space<semaphore_mem>>, %arg29: memref<12x!tpu.dma_semaphore, #tpu.memory_space<semaphore_mem>>, %arg30: memref<12x!tpu.dma_semaphore, #tpu.memory_space<semaphore_mem>>, %arg31: memref<!tpu.dma_semaphore, #tpu.memory_space<semaphore_mem>>, %arg32: memref<1x!tpu.dma_semaphore, #tpu.memory_space<semaphore_mem>>, %arg33: memref<2x!tpu.dma_semaphore, #tpu.memory_space<semaphore_mem>>) attributes {dimension_semantics = [], scalar_prefetch = 0 : i64, scratch_operands = 16 : i64, tpu.core_type = #tpu.core_type<tc>} {
    %get3A = arith.constant 0 : index
    %get3A_0 = arith.constant 0 : index
    %get3A_1 = vector.load %arg0[%get3A, %get3A_0] : memref<256x64xf32, #tpu.memory_space<vmem>>, vector<256x64xf32>
    %reduce_sum3A = vector.shape_cast %get3A_1 : vector<256x64xf32> to vector<1x256x64xf32>
    %reduce_sum3A_2 = arith.constant dense<0.000000e+00> : vector<1xf32>
    %reduce_sum3A_3 = vector.multi_reduction <add>, %reduce_sum3A, %reduce_sum3A_2 [1, 2] : vector<1x256x64xf32> to vector<1xf32>
    %reduce_sum3A_4 = vector.shape_cast %reduce_sum3A_3 : vector<1xf32> to vector<1x1x1xf32>
    %reduce_sum3A_5 = vector.extract %reduce_sum3A_4[0, 0, 0] : f32 from vector<1x1x1xf32>
    %broadcast_in_dim3A = vector.broadcast %reduce_sum3A_5 : f32 to vector<1x1xf32>
    %get3A_6 = arith.constant 0 : index
    %get3A_7 = memref.load %arg11[%get3A_6] : memref<1xf32, #tpu.memory_space<smem>>
    %add3A = vector.broadcast %get3A_7 : f32 to vector<1x1xf32>
    %add3A_8 = arith.addf %broadcast_in_dim3A, %add3A : vector<1x1xf32>
    %swap3A = arith.constant 0 : index
    %swap3A_9 = arith.constant 0 : index
    %swap3A_10 = vector.load %arg15[%swap3A, %swap3A_9] : memref<1x1xf32, #tpu.memory_space<vmem>>, vector<1x1xf32>
    tpu.vector_store %arg15[%swap3A, %swap3A_9], %add3A_8 {strides = array<i32>} : memref<1x1xf32, #tpu.memory_space<vmem>>, vector<1x1xf32>,
    return
  }
}

</mosaic_0001>

<sc_bundles>
// kernel: kernel.4.cloned.1.call-start
scs
__scs_entry_jumppad:
0x0: {  	(pc) =	sbr.rel $0x88, $3  }
0x1: {  	(tag) =	ssettag $0x0;
	lr =	simm.s32 $0x1  }
0x2: {  	[smem:$0x3F8F] =	sst lr;
	_ =	strace $0xD0000000  }
0x3: {  	_ = 	snop  }
0x4: {  	_ = 	snop  }
0x5: {  	_ = 	snop  }
0x6: {  	_ = 	snop  }
0x7: {  	_ = 	snop  }
__scs_overlays_trampoline_lowered:
0x8: {  	[smem:$0x3F9E] =	sst s0  }
0x9: {  	[smem:$0x3F9F] =	sst s1  }
0xa: {  	[smem:$0x3FA0] =	sst s2  }
0xb: {  	[smem:$0x3FA1] =	sst s3  }
0xc: {  	[smem:$0x3FA2] =	sst s4  }
0xd: {  	[smem:$0x3FA3] =	sst s5  }
0xe: {  	[smem:$0x3FA4] =	sst s6  }
0xf: {  	[smem:$0x3FA5] =	sst s7  }
0x10: {  	[smem:$0x3FA6] =	sst s8  }
0x11: {  	[smem:$0x3FA7] =	sst s9;
	s0 =	simm.s32 @!p0 $0x0  }
0x12: {  	s1 =	sld [smem:$0x3F8D];
	s0 =	simm.s32 @p0 $0x1  }
0x13: {  	[smem:$0x3FA8] =	sst s0;
	s0 =	simm.s32 @!p1 $0x0  }
0x14: {  	s2 =	sld [smem:$0x3F8C];
	s0 =	simm.s32 @p1 $0x1  }
0x15: {  	[smem:$0x3FA9] =	sst s0;
	s0 =	simm.s32 @!p2 $0x0  }
0x16: {  	s3 =	sld [smem:$0x3FDB];
	s0 =	simm.s32 @p2 $0x1  }
0x17: {  	s4 =	simm.s32 $0x1BF5;
	[smem:$0x3FAB] =	sst s0  }
0x18: {  	s0 =	sld [smem:$0x3F8E];
	_ =	swait.ge [sflag:s4], $0x0  }
0x19: {  	s7 =	sld [smem:$0x3F8F]  }
0x1a: {  	s8 =	sadd.s32 $0xFFFFE003, lr  }
0x1b: {  	s9 =	sadd.s32 $0xFFFFFEF7, lr;
	s5 =	simm.s32 $0xFFFFFFFF;
	p2 =	slt.u32 s8, $0xFFFFF086  }
0x1c: {  	p1 =	slt.u32 s9, $0xF7A;
	s5 =	simm.s32 @!p2 $0x0  }
0x1d: {  	s5 =	simm.s32 @p1 $0x1;
	p0 =	seq.s32 s7, s2  }
0x1e: {  	s7 =	smul.u32 @!p0 $0xF7A, s2;
	p2 =	seq.s32 @!p0 s5, $0x0  }
0x1f: {  	s9 =	smul.u32 $0xF7A, s1;
	s8 =	simm.s32 @!p0 $0x1BF5;
	p2 =	por !p2, p0  }
0x20: {  	[sflag:s8] =	ssyncset.s32 @!p0 $0xFFFFF086;
	s6 =	sadd.s32 @!p0 s3, s7;
	s7 =	simm.s32 @!p0 $0x108  }
0x21: {  	s3 =	sadd.s32 s3, s9;
	s6 =	sadd.s32 @!p0 $0x88, s6;
	s7 =	simm.s32 @p2 $0x1082  }
0x22: {  	[simem:s7], [sflag:s8] =	dma.local @!p0 [hbm:s6], $0xF7A  }
0x23: {  	s9 =	sor.u32 $0xD0000000, s2;
	s6 =	simm.s32 $0x108;
	_ =	swait.ge @!p0 [sflag:s8], $0x0  }
0x24: {  	s3 =	sadd.s32 $0x88, s3;
	s6 =	simm.s32 @!p1 $0x1082;
	[sflag:s4] =	ssyncset.s32 $0xFFFFF086  }
0x25: {  	[simem:s6], [sflag:s4] =	dma.local [hbm:s3], $0xF7A  }
0x26: {  	[smem:$0x3F8F] =	sst s1;
	(tag) =	ssettag s2;
	_ =	strace s9  }
0x27: {  	s1 =	sld [smem:$0x3F9F]  }
0x28: {  	s2 =	sld [smem:$0x3FA0]  }
0x29: {  	s4 =	sld [smem:$0x3FA2]  }
0x2a: {  	p0 =	seq.s32 s5, $0x0;
	s5 =	sld [smem:$0x3FA3]  }
0x2b: {  	s6 =	sld [smem:$0x3FA4]  }
0x2c: {  	s7 =	sld [smem:$0x3FA5]  }
0x2d: {  	s3 =	simm.s32 $0x108;
	s8 =	sld [smem:$0x3FA6]  }
0x2e: {  	s3 =	simm.s32 @!p0 $0x1082;
	s9 =	sld [smem:$0x3FA7]  }
0x2f: {  	lr =	sadd.s32 s0, s3;
	s0 =	sld [smem:$0x3F9E]  }
0x30: {  	s3 =	sld [smem:$0x3FA1]  }
0x31: {  	[smem:$0x3FAA] =	sst s10  }
0x32: {  	s10 =	sld [smem:$0x3FA8];
	_ =	sdelay $0x3  }
0x33: {  	p0 =	seq.s32 s10, $0x1;
	s10 =	sld [smem:$0x3FAA];
	_ =	sdelay $0x3  }
0x34: {  	[smem:$0x3FAA] =	sst s10  }
0x35: {  	s10 =	sld [smem:$0x3FA9];
	_ =	sdelay $0x3  }
0x36: {  	p1 =	seq.s32 s10, $0x1;
	s10 =	sld [smem:$0x3FAA];
	_ =	sdelay $0x3  }
0x37: {  	[smem:$0x3FAA] =	sst s10  }
0x38: {  	s10 =	sld [smem:$0x3FAB]  }
0x39: {  	_ = 	snop;
	(pc) =	sbr.ind lr, $3  }
0x3a: {  	_ = 	snop  }
0x3b: {  	_ = 	snop  }
0x3c: {  	p2 =	seq.s32 s10, $0x1;
	s10 =	sld [smem:$0x3FAA]  }
0x3d: {  	_ =	shalt  }
0x3e: {  	_ =	shalt  }
0x3f: {  	_ =	shalt  }
0x40: {  	_ =	shalt  }
0x41: {  	_ =	shalt  }
0x42: {  	_ =	shalt  }
0x43: {  	_ =	shalt  }
0x44: {  	_ =	shalt  }
0x45: {  	_ =	shalt  }
0x46: {  	_ =	shalt  }
0x47: {  	_ =	shalt  }
0x48: {  	_ =	shalt  }
0x49: {  	_ =	shalt  }
0x4a: {  	_ =	shalt  }
0x4b: {  	_ =	shalt  }
0x4c: {  	_ =	shalt  }
0x4d: {  	_ =	shalt  }
0x4e: {  	_ =	shalt  }
0x4f: {  	_ =	shalt  }
0x50: {  	_ =	shalt  }
0x51: {  	_ =	shalt  }
0x52: {  	_ =	shalt  }
0x53: {  	_ =	shalt  }
0x54: {  	_ =	shalt  }
0x55: {  	_ =	shalt  }
0x56: {  	_ =	shalt  }
0x57: {  	_ =	shalt  }
0x58: {  	_ =	shalt  }
0x59: {  	_ =	shalt  }
0x5a: {  	_ =	shalt  }
0x5b: {  	_ =	shalt  }
0x5c: {  	_ =	shalt  }
0x5d: {  	_ =	shalt  }
0x5e: {  	_ =	shalt  }
0x5f: {  	_ =	shalt  }
0x60: {  	_ =	shalt  }
0x61: {  	_ =	shalt  }
0x62: {  	_ =	shalt  }
0x63: {  	_ =	shalt  }
0x64: {  	_ =	shalt  }
0x65: {  	_ =	shalt  }
0x66: {  	_ =	shalt  }
0x67: {  	_ =	shalt  }
0x68: {  	_ =	shalt  }
0x69: {  	_ =	shalt  }
0x6a: {  	_ =	shalt  }
0x6b: {  	_ =	shalt  }
0x6c: {  	_ =	shalt  }
0x6d: {  	_ =	shalt  }
0x6e: {  	_ =	shalt  }
0x6f: {  	_ =	shalt  }
0x70: {  	_ =	shalt  }
0x71: {  	_ =	shalt  }
0x72: {  	_ =	shalt  }
0x73: {  	_ =	shalt  }
0x74: {  	_ =	shalt  }
0x75: {  	_ =	shalt  }
0x76: {  	_ =	shalt  }
0x77: {  	_ =	shalt  }
0x78: {  	_ =	shalt  }
0x79: {  	_ =	shalt  }
0x7a: {  	_ =	shalt  }
0x7b: {  	_ =	shalt  }
0x7c: {  	_ =	shalt  }
0x7d: {  	_ =	shalt  }
0x7e: {  	_ =	shalt  }
0x7f: {  	_ =	shalt  }
0x80: {  	_ =	shalt  }
0x81: {  	_ =	shalt  }
0x82: {  	_ =	shalt  }
0x83: {  	_ =	shalt  }
0x84: {  	_ =	shalt  }
0x85: {  	_ =	shalt  }
0x86: {  	_ =	shalt  }
0x87: {  	_ =	shalt  }
.Lfunc_end0:
.L_simem_size_0:
called_computation_lowered:
.L_overlay_start_0:
0x88: {  	s2 =	sld [smem:$0x3FD9]  }
0x89: {  	s3 =	sld [smem:$0x3FFE];
	_ =	sdelay $0x1  }
0x8a: {  	s1 =	srdreg.scid  }
0x8b: {  	s0 =	sand.u32 $0x1, s1  }
0x8c: {  	s14 =	sshll.u32 s0, $0xA;
	s2 =	sadd.s32 s3, s2  }
0x8d: {  	s2 =	sadd.s32 s2, s14  }
0x8e: {  	[smem:$0x3FB6] =	sst s2  }
0x8f: {  	_ = 	snop  }
0x90: {  	s2 =	sld [smem:$0x3FD0];
	_ =	sdelay $0x2  }
0x91: {  	s4 =	simm.s32 $0xA;
	s5 =	simm.s32 $0x10;
	s15 =	sld [smem:$0x3FC7]  }
0x92: {  	[smem:s5], [sflag:s4] =	dma.local [hbm:s2], $0x1  }
0x93: {  	_ =	swait.eq [sflag:s4], $0x1  }
0x94: {  	[sflag:s4] =	ssyncset.done $0x0  }
0x95: {  	[sflag:s4] =	ssyncadd.s32 $0xFFFFFFFF  }
0x96: {  	s16 =	sld [smem:$0x12];
	(tm) =	ssettm $0x1  }
0x97: {  	s17 =	sld [smem:$0x3FFB];
	_ =	sdelay $0x3  }
0x98: {  	_ =	strace s17  }
0x99: {  	s4 =	sld [smem:$0x3FFC];
	_ =	sdelay $0x3  }
0x9a: {  	_ =	strace s4  }
0x9b: {  	s4 =	sld [smem:$0x3FFD];
	_ =	sdelay $0x3  }
0x9c: {  	_ =	strace s4  }
0x9d: {  	_ =	strace $0x8FFFFFFF  }
0x9e: {  	s18 =	sld [smem:$0x3FDB];
	_ =	sdelay $0x1  }
0x9f: {  	s19 =	simm.s32 $_scs_section_size  }
0xa0: {  	s6 =	simm.s32 $_size__tile_overlayer_lowered;
	s7 =	simm.s32 $_tile_overlayer_lowered  }
0xa1: {  	s22 =	simm.s32 $0x1BFF;
	s21 =	sshll.u32 s7, $0x1;
	s4 =	sadd.s32 s19, s18  }
0xa2: {  	s8 =	simm.s32 $0x0;
	s20 =	sshll.u32 s6, $0x1;
	s6 =	sadd.s32 s21, s4  }
0xa3: {  	[timem:s8], [sflag:s22] =	dma.local [hbm:s6], s20  }
0xa4: {  	_ =	swait.ge [sflag:s22], s20  }
0xa5: {  	s5 =	ssub.s32 $0x0, s20;
	[sflag:s22] =	ssyncset.done $0x0  }
0xa6: {  	[sflag:s22] =	ssyncadd.s32 s5;
	_ =	sdelay $0x1  }
0xa7: {  	s23 =	simm.s32 $0x1B8B  }
0xa8: {  	_ =	swait.ge [sflag:s23], $0x1  }
0xa9: {  	[sflag:s23] =	ssyncset.done $0x0  }
0xaa: {  	s25 =	simm.s32 $0x1B8E;
	s24 =	sld [smem:$0x3FFE];
	[sflag:s23] =	ssyncadd.s32 $0xFFFFFFFF  }
0xab: {  	s26 =	simm.s32 $execute0_lowered;
	[smem:$0x3FD2] =	sst s25  }
0xac: {  	s6 =	sshll.u32 s26, $0x1;
	_ =	strace $0x80000046;
	[dreg:$0x1] =	wrdreg $0xFFFFFFFF  }
0xad: {  	s28 =	simm.s32 $_size_execute0_lowered;
	s4 =	sadd.s32 s4, s6;
	[dreg:$0x0] =	wrdreg $0x0  }
0xae: {  	s6 =	sshll.u32 s28, $0x1;
	[dreg:$0x2] =	wrdreg s4  }
0xaf: {  	[dreg:$0x3] =	wrdreg s6  }
0xb0: {  	[dreg:$0x4] =	wrdreg $0xC0  }
0xb1: {  	_ =	task [dreg:s8], $0x5FFFF  }
0xb2: {  	[dreg:$0x1] =	wrdreg $0xFFFFFFFF  }
0xb3: {  	[dreg:$0x0] =	wrdreg $0x60  }
0xb4: {  	[dreg:$0x2] =	wrdreg s16  }
0xb5: {  	[dreg:$0x3] =	wrdreg s15  }
0xb6: {  	[dreg:$0x4] =	wrdreg s24  }
0xb7: {  	[dreg:$0x5] =	wrdreg $0x9  }
0xb8: {  	_ =	task.clear_ibuf [dreg:s8], $0x6FFFF;
	_ =	strace $0x90000046  }
0xb9: {  	s29 =	simm.s32 $0x9;
	_ =	strace $0x80000048  }
0xba: {  	_ =	swait.ge [sflag:s29], $0x1  }
0xbb: {  	[sflag:s29] =	ssyncadd.s32 $0xFFFFFFFF  }
0xbc: {  	_ =	strace $0x90000048  }
0xbd: {  	_ =	sfence  }
0xbe: {  	s30 =	sld [smem:$0x0];
	_ =	sdelay $0x2  }
0xbf: {  	s31 =	sshll.u32 s1, $0xD;
	s1 =	sshrl.u32 s1, $0x2  }
0xc0: {  	s3 =	sand.u32 $0x4000, s31;
	s1 =	sadd.s32 s1, s30  }
0xc1: {  	s0 =	sor.u32 s3, s0;
	s1 =	sshll.u32 s1, $0x11  }
0xc2: {  	s0 =	sor.u32 s1, s0  }
0xc3: {  	s0 =	sadd.s32 $0x8F2B, s0  }
0xc4: {  	[sflag:s0] =	ssyncadd.remote.s32 $0x1  }
0xc5: {  	_ =	sfence.sel $0xFFFF  }
0xc6: {  	[dreg:$0x0] =	wrdreg $0xFFFFFFFF;
	(pc) =	sbr.abs _section_cstart, $3  }
0xc7: {  	[dreg:$0x1] =	wrdreg $0xFFFFFFFF  }
0xc8: {  	_ =	task.clear_ibuf [dreg:s8], $0x2FFFF;
	_ =	strace $0x9FFFFFFF  }
0xc9: {  	(tm) =	ssettm $0x7FFFFFFF  }
tec
execute0_lowered:
.L_overlay_start_1:
0x0: {  	(tag) =	ssettag $0x1  }
0x1: {  	s4 =	rddreg [dreg:$0x0];
	s1 =	srdreg.scid  }
0x2: {  	s2 =	rddreg [dreg:$0x1];
	s0 =	stileid.u32  }
0x3: {  	s8 =	rddreg [dreg:$0x2];
	s3 =	simm.s32 $0x0;
	s6 =	sand.u32 $0x1, s1  }
0x4: {  	s5 =	sshll.u32 s0, $0x4;
	s1 =	rddreg [dreg:$0x3];
	s7 =	sshll.u32 s6, $0x3  }
0x5: {  	[smem:$0x7FF] =	sst s3;
	s9 =	sor.u32 s7, s5  }
0x6: {  	_ =	strace $0x80000047;
	s10 =	ssub.s32 $0x2, s6;
	s5 =	sshrl.u32 s9, $0x3  }
0x7: {  	s6 =	simm.s32 $0x8;
	s5 =	sadd.s32 s4, s5;
	s4 =	simm.s32 $0x2  }
0x8: {  	[tilespmem:s3], [sflag:$0x2] =	stream.linear.gather [hbm4b:s5+s3], $0x8, $0x38;
	[tilespmem:$0x408] =	vst v63  }
0x9: {  	s7 =	simm.s32 $0x1;
	s11 =	sshrl.u32 s10, $0x1;
	_ =	swait.ge [sflag:s4], $0x8  }
0xa: {  	s9 =	sshll.u32 s9, $0x4;
	s31 =	ssub.s32 s10, s11;
	[sflag:s4] =	ssyncset.done $0x0  }
0xb: {  	s8 =	sadd.s32 s9, s8;
	s9 =	smax.u32 s31, $0x1;
	[sflag:s4] =	ssyncadd.s32 $0xFFFFFFF8  }
0xc: {  	[tilespmem:s6], [sflag:$0x1] =	stream.indirect.gather [hbm4b:s2+s6], $0x80, s3, s6, $0xb8;
	[tilespmem:$0x408] =	vst v63  }
0xd: {  	p0 =	sne.s32 s9, $0x1;
	_ =	swait.ge [sflag:s7], $0x400  }
.Ltmp0:
0xe: {  	[sflag:s7] =	ssyncset.done $0x0;
	(pc) =	sbr.rel @!p0 .LBB2_2-.Ltmp0, $4  }
0xf: {  	s8 =	sadd.s32 $0x2A00, s8;
	[sflag:s7] =	ssyncadd.s32 $0xFFFFFC00  }
0x10: {  	[hbm4b:s8+s3] =	stream.linear.scatter [tilespmem:s6], [sflag:$0x2], $0x400, $0x38;
	[tilespmem:$0x408] =	vst v63  }
0x11: {  	_ =	swait.ge [sflag:s4], $0x400  }
0x12: {  	s9 =	sadd.s32 $0xFFFFFFFF, s9;
	[sflag:s4] =	ssyncset.done $0x0  }
.LBB2_1:
0x13: {  	p0 =	sne.s32 s9, $0x1;
	s9 =	sadd.s32 $0xFFFFFFFF, s9;
	[sflag:s4] =	ssyncadd.s32 $0xFFFFFC00  }
0x14: {  	[tilespmem:s3], [sflag:$0x2] =	stream.linear.gather [hbm4b:s5+s3], $0x8, $0x38;
	[tilespmem:$0x408] =	vst v63  }
0x15: {  	_ =	swait.ge [sflag:s4], $0x8  }
0x16: {  	[sflag:s4] =	ssyncset.done $0x0  }
0x17: {  	[sflag:s4] =	ssyncadd.s32 $0xFFFFFFF8  }
0x18: {  	[tilespmem:s6], [sflag:$0x1] =	stream.indirect.gather [hbm4b:s2+s6], $0x80, s3, s6, $0xb8;
	[tilespmem:$0x408] =	vst v63  }
0x19: {  	_ =	swait.ge [sflag:s7], $0x400  }
.Ltmp1:
0x1a: {  	[sflag:s7] =	ssyncset.done $0x0;
	(pc) =	sbr.rel @p0 .LBB2_1-.Ltmp1, $4  }
0x1b: {  	[sflag:s7] =	ssyncadd.s32 $0xFFFFFC00  }
0x1c: {  	[hbm4b:s8+s3] =	stream.linear.scatter [tilespmem:s6], [sflag:$0x2], $0x400, $0x38;
	[tilespmem:$0x408] =	vst v63  }
0x1d: {  	_ =	swait.ge [sflag:s4], $0x400  }
0x1e: {  	[sflag:s4] =	ssyncset.done $0x0  }
.LBB2_2:
0x1f: {  	[sflag:s4] =	ssyncadd.s32 $0xFFFFFC00  }
0x20: {  	_ =	sfence.sel $0x180000  }
0x21: {  	[bflag:$0x0] =	sbarrier.arrive $0xFFFF  }
0x22: {  	p0 =	sne.s32 s0, $0x0;
	_ =	strace $0x90000047  }
0x23: {  	s0 =	sadd.s32 @!p0 $0x100000, s1;
	[bflag:$0x2] =	sbarrier.arrive $0xFFFF  }
0x24: {  	[sflag:s0] =	ssyncadd.tile.s32 @!p0 $0x1;
	_ =	shalt  }
.Lfunc_end2:
_tile_overlayer_lowered:
.L_overlay_start_2:
0x25: {  	(tag) =	ssettag $0x2  }
0x26: {  	s0 =	rddreg [dreg:$0x0];
	s2 =	stileid.u32  }
0x27: {  	s1 =	rddreg [dreg:$0x1];
	p0 =	sne.s32 s2, $0x0  }
0x28: {  	s3 =	rddreg [dreg:$0x2];
	[bflag:$0x3] =	sbarrier.arrive $0xFFFF;
	s2 =	simm.s32 @!p0 $0x1C02  }
0x29: {  	[timem:s3], [sflag:s2] =	dma.local @!p0 [hbm:s0], s1  }
0x2a: {  	s0 =	simm.s32 @!p0 $0x2  }
0x2b: {  	_ =	swait.ge @!p0 [sflag:s0], s1  }
0x2c: {  	s1 =	ssub.s32 @!p0 $0x0, s1;
	[sflag:s0] =	ssyncset.done @!p0 $0x0  }
0x2d: {  	[sflag:s0] =	ssyncadd.s32 @!p0 s1  }
0x2e: {  	[bflag:$0x3] =	sbarrier.arrive $0xFFFF  }
0x2f: {  	_ =	shalt  }

</sc_bundles>
